<compile_context>
chip_gen: v7x
topology: tpu7x:2x2x1
jax: 0.10.2.dev20260603
libtpu: 0.0.44.dev20260713+nightly
codegen_flags: <defaults>
</compile_context>

<pallas_src>
import functools

import jax
import jax.numpy as jnp
from jax import lax
from jax.experimental import pallas as pl
from jax.experimental.pallas import tpu as pltpu
from jax.experimental.pallas import tpu_sc as plsc

_N, _F, _T = 131072, 64, 8
_FT = _F * _T
_NC, _NS, _L = 2, 16, 16
_NW = _NC * _NS
_RPW = _N // _NW
_R = 64
_G = _RPW // _R
_XC = _R * _F
_OC = _R * _FT
_J = _FT // _L


def _sc_body(x_hbm, thr_hbm, out_hbm, thr_v, xb0, xb1, ob0, ob1,
             si0, si1, so0, so1):
    wid = lax.axis_index("s") * _NC + lax.axis_index("c")
    base = wid * _RPW

    pltpu.sync_copy(thr_hbm, thr_v)

    lane = lax.iota(jnp.int32, _L)
    hi8 = lax.shift_right_logical(lane, jnp.full((_L,), 3, jnp.int32))
    one = jnp.full((_L,), 1.0, jnp.float32)
    zero = jnp.full((_L,), 0.0, jnp.float32)
    thrs = [thr_v[pl.ds(_L * j, _L)] for j in range(_J)]
    gidxs = [hi8 + jnp.full((_L,), 2 * m, jnp.int32) for m in range(8)]

    xbs, obs, sis, sos = (xb0, xb1), (ob0, ob1), (si0, si1), (so0, so1)

    def start_in(g, b):
        pltpu.async_copy(
            x_hbm.at[pl.ds((base + g * _R) * _F, _XC)], xbs[b], sis[b])

    def wait_in(b):
        pltpu.make_async_copy(
            x_hbm.at[pl.ds(0, _XC)], xbs[b], sis[b]).wait()

    def start_out(g, b):
        pltpu.async_copy(
            obs[b], out_hbm.at[pl.ds((base + g * _R) * _FT, _OC)], sos[b])

    def wait_out(b):
        pltpu.make_async_copy(
            obs[b], out_hbm.at[pl.ds(0, _OC)], sos[b]).wait()

    def _vgather(vec, idx):
        return lax.gather(
            vec, idx[:, None],
            lax.GatherDimensionNumbers(
                offset_dims=(), collapsed_slice_dims=(0,),
                start_index_map=(0,)),
            (1,), mode=lax.GatherScatterMode.PROMISE_IN_BOUNDS)

    def compute(xb, ob):
        @plsc.parallel_loop(0, _R, unroll=1)
        def row(r):
            rb = r * _F
            outb = r * _FT
            for k in range(_F // _L):
                xv = xb[pl.ds(rb + _L * k, _L)]
                for m in range(8):
                    j = 8 * k + m
                    xg = _vgather(xv, gidxs[m])
                    ob[pl.ds(outb + _L * j, _L)] = jnp.where(
                        xg > thrs[j], one, zero)

    start_in(0, 0)
    start_in(1, 1)

    def pair(g2, c):
        for b in range(2):
            g = 2 * g2 + b
            wait_in(b)

            @pl.when(g2 > 0)
            def _():
                wait_out(b)

            start_out(g, b)

            @pl.when(g2 < _G // 2 - 1)
            def _():
                start_in(g + 2, b)
        return c

    lax.fori_loop(0, _G // 2, pair, 0)
    wait_out(0)
    wait_out(1)


@functools.partial(jax.jit, static_argnames=())
def kernel(x, thresholds):
    n, f = x.shape
    t = thresholds.shape[-1]
    mesh = plsc.VectorSubcoreMesh(
        core_axis_name="c", subcore_axis_name="s",
        num_cores=_NC, num_subcores=_NS)
    out_flat = pl.kernel(
        _sc_body,
        out_type=jax.ShapeDtypeStruct((n * f * t,), jnp.float32),
        mesh=mesh,
        compiler_params=pltpu.CompilerParams(needs_layout_passes=False),
        scratch_types=[
            pltpu.VMEM((_FT,), jnp.float32),
            pltpu.VMEM((_XC,), jnp.float32),
            pltpu.VMEM((_XC,), jnp.float32),
            pltpu.VMEM((_OC,), jnp.float32),
            pltpu.VMEM((_OC,), jnp.float32),
            pltpu.SemaphoreType.DMA,
            pltpu.SemaphoreType.DMA,
            pltpu.SemaphoreType.DMA,
            pltpu.SemaphoreType.DMA,
        ],
    )(x.reshape(-1), thresholds.reshape(-1))
    return out_flat.reshape(n, f * t)

# --- scband reference (transcript-rebuilt; emitter-appended) ---
"""Pipeline reference for scband-distributive-thermometer-61684320305358 (READ-ONLY COPY).

The authoritative reference and input builder live on the scoring server;
editing this copy changes nothing except your own understanding.
"""

import jax, jax.numpy as jnp
import numpy as np

N, F, T = 131072, 64, 8

def setup_inputs(seed: int = 0) -> dict:
    key = jax.random.key(seed)
    k1, k2 = jax.random.split(key)
    x = jax.random.normal(k1, (N, F), dtype=jnp.float32)
    # thresholds buffer: per-feature evenly-spaced quantile thresholds, shape (F, T).
    # Emulate fit() by computing quantiles from a synthetic calibration batch so the
    # thresholds are realistic (monotone per feature).
    calib = jax.random.normal(k2, (4096, F), dtype=jnp.float32)
    data = jnp.sort(calib, axis=0)
    Ncal = data.shape[0]
    idx = jnp.array([int(Ncal * i / (T + 1)) for i in range(1, T + 1)], dtype=jnp.int32)
    thresholds = jnp.transpose(data[idx], (1, 0))  # (F, T)
    return {"x": x, "thresholds": thresholds}

def reference(x, thresholds):
    # out[b, f, t] = 1.0 if x[b, f] > thresholds[f, t]
    out = (x[..., None] > thresholds).astype(jnp.float32)
    return out.reshape(x.shape[0], x.shape[1] * thresholds.shape[-1])

if __name__ == "__main__":
    import jax
    _d = setup_inputs()
    print(jax.jit(kernel)(*tuple(_d.values())))

</pallas_src>

<mosaic_0001>
#map = affine_map<(d0, d1) -> (0)>
module attributes {stable_mosaic.version = 14 : i64} {
  func.func @_sc_body(%arg0: i32, %arg1: i32, %arg2: memref<8388608xf32, #tpu.memory_space<hbm>>, %arg3: memref<512xf32, #tpu.memory_space<hbm>>, %arg4: memref<67108864xf32, #tpu.memory_space<hbm>>, %arg5: memref<512xf32, #tpu.memory_space<vmem>>, %arg6: memref<4096xf32, #tpu.memory_space<vmem>>, %arg7: memref<4096xf32, #tpu.memory_space<vmem>>, %arg8: memref<32768xf32, #tpu.memory_space<vmem>>, %arg9: memref<32768xf32, #tpu.memory_space<vmem>>, %arg10: memref<!tpu.dma_semaphore, #tpu.memory_space<semaphore_mem>>, %arg11: memref<!tpu.dma_semaphore, #tpu.memory_space<semaphore_mem>>, %arg12: memref<!tpu.dma_semaphore, #tpu.memory_space<semaphore_mem>>, %arg13: memref<!tpu.dma_semaphore, #tpu.memory_space<semaphore_mem>>) attributes {dimension_semantics = [#tpu.dimension_semantics<core_parallel>, #tpu.dimension_semantics<subcore_parallel>], iteration_bounds = array<i64: 2, 16>, scalar_prefetch = 0 : i64, scratch_operands = 9 : i64, tpu.core_type = #tpu.core_type<sc_vector_subcore>, window_params = [{transform_indices = #map}, {transform_indices = #map}, {transform_indices = #map}]} {
    %mul3A = arith.constant 2 : i32
    %mul3A_0 = arith.muli %arg1, %mul3A : i32
    %add3A = arith.addi %mul3A_0, %arg0 : i32
    %mul3A_1 = arith.constant 4096 : i32
    %mul3A_2 = arith.muli %add3A, %mul3A_1 : i32
    "tpu.region"() ({
      %run_scoped3A = tpu.sem_alloc : memref<!tpu.dma_semaphore, #tpu.memory_space<semaphore_mem>>
      tpu.enqueue_dma source(%arg3 : memref<512xf32, #tpu.memory_space<hbm>>) target(%arg5 : memref<512xf32, #tpu.memory_space<vmem>>) target_semaphore(%run_scoped3A : memref<!tpu.dma_semaphore, #tpu.memory_space<semaphore_mem>>)
      tpu.wait_dma2 semaphore(%run_scoped3A : memref<!tpu.dma_semaphore, #tpu.memory_space<semaphore_mem>>) src(%arg3 : memref<512xf32, #tpu.memory_space<hbm>>) dst(%arg5 : memref<512xf32, #tpu.memory_space<vmem>>)
      tpu.yield
    }) : () -> ()
    %iota3A = tpu.iota {dimensions = array<i32: 0>} : vector<16xi32>
    %broadcast_in_dim3A = arith.constant 3 : i32
    %broadcast_in_dim3A_3 = vector.broadcast %broadcast_in_dim3A : i32 to vector<16xi32>
    %shift_right_logical3A = arith.shrui %iota3A, %broadcast_in_dim3A_3 : vector<16xi32>
    %broadcast_in_dim3A_4 = arith.constant 1.000000e+00 : f32
    %broadcast_in_dim3A_5 = vector.broadcast %broadcast_in_dim3A_4 : f32 to vector<16xf32>
    %broadcast_in_dim3A_6 = arith.constant 0.000000e+00 : f32
    %broadcast_in_dim3A_7 = vector.broadcast %broadcast_in_dim3A_6 : f32 to vector<16xf32>
    %get3A = arith.constant 0 : index
    %get3A_8 = tpu.vector_load %arg5[%get3A] {strides = array<i32>} : memref<512xf32, #tpu.memory_space<vmem>>, vector<16xf32>,
    %get3A_9 = arith.constant 16 : index
    %get3A_10 = tpu.vector_load %arg5[%get3A_9] {strides = array<i32>} : memref<512xf32, #tpu.memory_space<vmem>>, vector<16xf32>,
    %get3A_11 = arith.constant 32 : index
    %get3A_12 = tpu.vector_load %arg5[%get3A_11] {strides = array<i32>} : memref<512xf32, #tpu.memory_space<vmem>>, vector<16xf32>,
    %get3A_13 = arith.constant 48 : index
    %get3A_14 = tpu.vector_load %arg5[%get3A_13] {strides = array<i32>} : memref<512xf32, #tpu.memory_space<vmem>>, vector<16xf32>,
    %get3A_15 = arith.constant 64 : index
    %get3A_16 = tpu.vector_load %arg5[%get3A_15] {strides = array<i32>} : memref<512xf32, #tpu.memory_space<vmem>>, vector<16xf32>,
    %get3A_17 = arith.constant 80 : index
    %get3A_18 = tpu.vector_load %arg5[%get3A_17] {strides = array<i32>} : memref<512xf32, #tpu.memory_space<vmem>>, vector<16xf32>,
    %get3A_19 = arith.constant 96 : index
    %get3A_20 = tpu.vector_load %arg5[%get3A_19] {strides = array<i32>} : memref<512xf32, #tpu.memory_space<vmem>>, vector<16xf32>,
    %get3A_21 = arith.constant 112 : index
    %get3A_22 = tpu.vector_load %arg5[%get3A_21] {strides = array<i32>} : memref<512xf32, #tpu.memory_space<vmem>>, vector<16xf32>,
    %get3A_23 = arith.constant 128 : index
    %get3A_24 = tpu.vector_load %arg5[%get3A_23] {strides = array<i32>} : memref<512xf32, #tpu.memory_space<vmem>>, vector<16xf32>,
    %get3A_25 = arith.constant 144 : index
    %get3A_26 = tpu.vector_load %arg5[%get3A_25] {strides = array<i32>} : memref<512xf32, #tpu.memory_space<vmem>>, vector<16xf32>,
    %get3A_27 = arith.constant 160 : index
    %get3A_28 = tpu.vector_load %arg5[%get3A_27] {strides = array<i32>} : memref<512xf32, #tpu.memory_space<vmem>>, vector<16xf32>,
    %get3A_29 = arith.constant 176 : index
    %get3A_30 = tpu.vector_load %arg5[%get3A_29] {strides = array<i32>} : memref<512xf32, #tpu.memory_space<vmem>>, vector<16xf32>,
    %get3A_31 = arith.constant 192 : index
    %get3A_32 = tpu.vector_load %arg5[%get3A_31] {strides = array<i32>} : memref<512xf32, #tpu.memory_space<vmem>>, vector<16xf32>,
    %get3A_33 = arith.constant 208 : index
    %get3A_34 = tpu.vector_load %arg5[%get3A_33] {strides = array<i32>} : memref<512xf32, #tpu.memory_space<vmem>>, vector<16xf32>,
    %get3A_35 = arith.constant 224 : index
    %get3A_36 = tpu.vector_load %arg5[%get3A_35] {strides = array<i32>} : memref<512xf32, #tpu.memory_space<vmem>>, vector<16xf32>,
    %get3A_37 = arith.constant 240 : index
    %get3A_38 = tpu.vector_load %arg5[%get3A_37] {strides = array<i32>} : memref<512xf32, #tpu.memory_space<vmem>>, vector<16xf32>,
    %get3A_39 = arith.constant 256 : index
    %get3A_40 = tpu.vector_load %arg5[%get3A_39] {strides = array<i32>} : memref<512xf32, #tpu.memory_space<vmem>>, vector<16xf32>,
    %get3A_41 = arith.constant 272 : index
    %get3A_42 = tpu.vector_load %arg5[%get3A_41] {strides = array<i32>} : memref<512xf32, #tpu.memory_space<vmem>>, vector<16xf32>,
    %get3A_43 = arith.constant 288 : index
    %get3A_44 = tpu.vector_load %arg5[%get3A_43] {strides = array<i32>} : memref<512xf32, #tpu.memory_space<vmem>>, vector<16xf32>,
    %get3A_45 = arith.constant 304 : index
    %get3A_46 = tpu.vector_load %arg5[%get3A_45] {strides = array<i32>} : memref<512xf32, #tpu.memory_space<vmem>>, vector<16xf32>,
    %get3A_47 = arith.constant 320 : index
    %get3A_48 = tpu.vector_load %arg5[%get3A_47] {strides = array<i32>} : memref<512xf32, #tpu.memory_space<vmem>>, vector<16xf32>,
    %get3A_49 = arith.constant 336 : index
    %get3A_50 = tpu.vector_load %arg5[%get3A_49] {strides = array<i32>} : memref<512xf32, #tpu.memory_space<vmem>>, vector<16xf32>,
    %get3A_51 = arith.constant 352 : index
    %get3A_52 = tpu.vector_load %arg5[%get3A_51] {strides = array<i32>} : memref<512xf32, #tpu.memory_space<vmem>>, vector<16xf32>,
    %get3A_53 = arith.constant 368 : index
    %get3A_54 = tpu.vector_load %arg5[%get3A_53] {strides = array<i32>} : memref<512xf32, #tpu.memory_space<vmem>>, vector<16xf32>,
    %get3A_55 = arith.constant 384 : index
    %get3A_56 = tpu.vector_load %arg5[%get3A_55] {strides = array<i32>} : memref<512xf32, #tpu.memory_space<vmem>>, vector<16xf32>,
    %get3A_57 = arith.constant 400 : index
    %get3A_58 = tpu.vector_load %arg5[%get3A_57] {strides = array<i32>} : memref<512xf32, #tpu.memory_space<vmem>>, vector<16xf32>,
    %get3A_59 = arith.constant 416 : index
    %get3A_60 = tpu.vector_load %arg5[%get3A_59] {strides = array<i32>} : memref<512xf32, #tpu.memory_space<vmem>>, vector<16xf32>,
    %get3A_61 = arith.constant 432 : index
    %get3A_62 = tpu.vector_load %arg5[%get3A_61] {strides = array<i32>} : memref<512xf32, #tpu.memory_space<vmem>>, vector<16xf32>,
    %get3A_63 = arith.constant 448 : index
    %get3A_64 = tpu.vector_load %arg5[%get3A_63] {strides = array<i32>} : memref<512xf32, #tpu.memory_space<vmem>>, vector<16xf32>,
    %get3A_65 = arith.constant 464 : index
    %get3A_66 = tpu.vector_load %arg5[%get3A_65] {strides = array<i32>} : memref<512xf32, #tpu.memory_space<vmem>>, vector<16xf32>,
    %get3A_67 = arith.constant 480 : index
    %get3A_68 = tpu.vector_load %arg5[%get3A_67] {strides = array<i32>} : memref<512xf32, #tpu.memory_space<vmem>>, vector<16xf32>,
    %get3A_69 = arith.constant 496 : index
    %get3A_70 = tpu.vector_load %arg5[%get3A_69] {strides = array<i32>} : memref<512xf32, #tpu.memory_space<vmem>>, vector<16xf32>,
    %broadcast_in_dim3A_71 = arith.constant 0 : i32
    %broadcast_in_dim3A_72 = vector.broadcast %broadcast_in_dim3A_71 : i32 to vector<16xi32>
    %add3A_73 = arith.addi %shift_right_logical3A, %broadcast_in_dim3A_72 : vector<16xi32>
    %broadcast_in_dim3A_74 = arith.constant 2 : i32
    %broadcast_in_dim3A_75 = vector.broadcast %broadcast_in_dim3A_74 : i32 to vector<16xi32>
    %add3A_76 = arith.addi %shift_right_logical3A, %broadcast_in_dim3A_75 : vector<16xi32>
    %broadcast_in_dim3A_77 = arith.constant 4 : i32
    %broadcast_in_dim3A_78 = vector.broadcast %broadcast_in_dim3A_77 : i32 to vector<16xi32>
    %add3A_79 = arith.addi %shift_right_logical3A, %broadcast_in_dim3A_78 : vector<16xi32>
    %broadcast_in_dim3A_80 = arith.constant 6 : i32
    %broadcast_in_dim3A_81 = vector.broadcast %broadcast_in_dim3A_80 : i32 to vector<16xi32>
    %add3A_82 = arith.addi %shift_right_logical3A, %broadcast_in_dim3A_81 : vector<16xi32>
    %broadcast_in_dim3A_83 = arith.constant 8 : i32
    %broadcast_in_dim3A_84 = vector.broadcast %broadcast_in_dim3A_83 : i32 to vector<16xi32>
    %add3A_85 = arith.addi %shift_right_logical3A, %broadcast_in_dim3A_84 : vector<16xi32>
    %broadcast_in_dim3A_86 = arith.constant 10 : i32
    %broadcast_in_dim3A_87 = vector.broadcast %broadcast_in_dim3A_86 : i32 to vector<16xi32>
    %add3A_88 = arith.addi %shift_right_logical3A, %broadcast_in_dim3A_87 : vector<16xi32>
    %broadcast_in_dim3A_89 = arith.constant 12 : i32
    %broadcast_in_dim3A_90 = vector.broadcast %broadcast_in_dim3A_89 : i32 to vector<16xi32>
    %add3A_91 = arith.addi %shift_right_logical3A, %broadcast_in_dim3A_90 : vector<16xi32>
    %broadcast_in_dim3A_92 = arith.constant 14 : i32
    %broadcast_in_dim3A_93 = vector.broadcast %broadcast_in_dim3A_92 : i32 to vector<16xi32>
    %add3A_94 = arith.addi %shift_right_logical3A, %broadcast_in_dim3A_93 : vector<16xi32>
    %add3A_95 = arith.constant 0 : i32
    %add3A_96 = arith.addi %mul3A_2, %add3A_95 : i32
    %mul3A_97 = arith.constant 64 : i32
    %mul3A_98 = arith.muli %add3A_96, %mul3A_97 : i32
    %dma_start3A = tpu.memref_slice %arg2[%mul3A_98] : memref<8388608xf32, #tpu.memory_space<hbm>> -> memref<4096xf32, #tpu.memory_space<hbm>>
    %dma_start3A_99 = tpu.memref_slice %arg2[%mul3A_98] : memref<8388608xf32, #tpu.memory_space<hbm>> -> memref<4096xf32, #tpu.memory_space<hbm>>
    tpu.enqueue_dma source(%dma_start3A_99 : memref<4096xf32, #tpu.memory_space<hbm>>) target(%arg6 : memref<4096xf32, #tpu.memory_space<vmem>>) target_semaphore(%arg10 : memref<!tpu.dma_semaphore, #tpu.memory_space<semaphore_mem>>)
    %add3A_100 = arith.constant 64 : i32
    %add3A_101 = arith.addi %mul3A_2, %add3A_100 : i32
    %mul3A_102 = arith.constant 64 : i32
    %mul3A_103 = arith.muli %add3A_101, %mul3A_102 : i32
    %dma_start3A_104 = tpu.memref_slice %arg2[%mul3A_103] : memref<8388608xf32, #tpu.memory_space<hbm>> -> memref<4096xf32, #tpu.memory_space<hbm>>
    %dma_start3A_105 = tpu.memref_slice %arg2[%mul3A_103] : memref<8388608xf32, #tpu.memory_space<hbm>> -> memref<4096xf32, #tpu.memory_space<hbm>>
    tpu.enqueue_dma source(%dma_start3A_105 : memref<4096xf32, #tpu.memory_space<hbm>>) target(%arg7 : memref<4096xf32, #tpu.memory_space<vmem>>) target_semaphore(%arg11 : memref<!tpu.dma_semaphore, #tpu.memory_space<semaphore_mem>>)
    %scan3A = arith.constant 0 : i32
    %scan3A_106 = arith.constant 0 : i32
    %scan3A_107 = arith.constant 32 : i32
    %scan3A_108 = arith.addi %scan3A_106, %scan3A_107 : i32
    %scan3A_109 = arith.constant 1 : i32
    scf.for %scan3A_118 = %scan3A_106 to %scan3A_108 step %scan3A_109  : i32 {
      %mul3A_119 = arith.constant 2 : i32
      %mul3A_120 = arith.muli %mul3A_119, %scan3A_118 : i32
      %add3A_121 = arith.constant 0 : i32
      %add3A_122 = arith.addi %mul3A_120, %add3A_121 : i32
      %dma_wait3A_123 = arith.constant 0 : i32
      %dma_wait3A_124 = tpu.memref_slice %arg2[%dma_wait3A_123] : memref<8388608xf32, #tpu.memory_space<hbm>> -> memref<4096xf32, #tpu.memory_space<hbm>>
      %dma_wait3A_125 = arith.constant 0 : i32
      %dma_wait3A_126 = tpu.memref_slice %arg2[%dma_wait3A_125] : memref<8388608xf32, #tpu.memory_space<hbm>> -> memref<4096xf32, #tpu.memory_space<hbm>>
      tpu.wait_dma2 semaphore(%arg10 : memref<!tpu.dma_semaphore, #tpu.memory_space<semaphore_mem>>) src(%dma_wait3A_126 : memref<4096xf32, #tpu.memory_space<hbm>>) dst(%arg6 : memref<4096xf32, #tpu.memory_space<vmem>>)
      %gt3A = arith.constant 0 : i32
      %gt3A_127 = arith.cmpi sgt, %scan3A_118, %gt3A : i32
      %convert_element_type3A = arith.extui %gt3A_127 : i1 to i32
      %cond3A = arith.constant 0 : i32
      %cond3A_128 = arith.cmpi ne, %convert_element_type3A, %cond3A : i32
      scf.if %cond3A_128 {
        %dma_wait3A_165 = arith.constant 0 : i32
        %dma_wait3A_166 = tpu.memref_slice %arg4[%dma_wait3A_165] : memref<67108864xf32, #tpu.memory_space<hbm>> -> memref<32768xf32, #tpu.memory_space<hbm>>
        %dma_wait3A_167 = arith.constant 0 : i32
        %dma_wait3A_168 = tpu.memref_slice %arg4[%dma_wait3A_167] : memref<67108864xf32, #tpu.memory_space<hbm>> -> memref<32768xf32, #tpu.memory_space<hbm>>
        tpu.wait_dma2 semaphore(%arg12 : memref<!tpu.dma_semaphore, #tpu.memory_space<semaphore_mem>>) src(%arg8 : memref<32768xf32, #tpu.memory_space<vmem>>) dst(%dma_wait3A_168 : memref<32768xf32, #tpu.memory_space<hbm>>)
      } else {
      }
      %mul3A_129 = arith.constant 64 : i32
      %mul3A_130 = arith.muli %add3A_122, %mul3A_129 : i32
      %add3A_131 = arith.addi %mul3A_2, %mul3A_130 : i32
      %mul3A_132 = arith.constant 512 : i32
      %mul3A_133 = arith.muli %add3A_131, %mul3A_132 : i32
      %dma_start3A_134 = tpu.memref_slice %arg4[%mul3A_133] : memref<67108864xf32, #tpu.memory_space<hbm>> -> memref<32768xf32, #tpu.memory_space<hbm>>
      %dma_start3A_135 = tpu.memref_slice %arg4[%mul3A_133] : memref<67108864xf32, #tpu.memory_space<hbm>> -> memref<32768xf32, #tpu.memory_space<hbm>>
      tpu.enqueue_dma source(%arg8 : memref<32768xf32, #tpu.memory_space<vmem>>) target(%dma_start3A_135 : memref<32768xf32, #tpu.memory_space<hbm>>) target_semaphore(%arg12 : memref<!tpu.dma_semaphore, #tpu.memory_space<semaphore_mem>>)
      %lt3A = arith.constant 31 : i32
      %lt3A_136 = arith.cmpi slt, %scan3A_118, %lt3A : i32
      %convert_element_type3A_137 = arith.extui %lt3A_136 : i1 to i32
      %cond3A_138 = arith.constant 0 : i32
      %cond3A_139 = arith.cmpi ne, %convert_element_type3A_137, %cond3A_138 : i32
      scf.if %cond3A_139 {
        %add3A_165 = arith.constant 2 : i32
        %add3A_166 = arith.addi %add3A_122, %add3A_165 : i32
        %mul3A_167 = arith.constant 64 : i32
        %mul3A_168 = arith.muli %add3A_166, %mul3A_167 : i32
        %add3A_169 = arith.addi %mul3A_2, %mul3A_168 : i32
        %mul3A_170 = arith.constant 64 : i32
        %mul3A_171 = arith.muli %add3A_169, %mul3A_170 : i32
        %dma_start3A_172 = tpu.memref_slice %arg2[%mul3A_171] : memref<8388608xf32, #tpu.memory_space<hbm>> -> memref<4096xf32, #tpu.memory_space<hbm>>
        %dma_start3A_173 = tpu.memref_slice %arg2[%mul3A_171] : memref<8388608xf32, #tpu.memory_space<hbm>> -> memref<4096xf32, #tpu.memory_space<hbm>>
        tpu.enqueue_dma source(%dma_start3A_173 : memref<4096xf32, #tpu.memory_space<hbm>>) target(%arg6 : memref<4096xf32, #tpu.memory_space<vmem>>) target_semaphore(%arg10 : memref<!tpu.dma_semaphore, #tpu.memory_space<semaphore_mem>>)
      } else {
      }
      %mul3A_140 = arith.constant 2 : i32
      %mul3A_141 = arith.muli %mul3A_140, %scan3A_118 : i32
      %add3A_142 = arith.constant 1 : i32
      %add3A_143 = arith.addi %mul3A_141, %add3A_142 : i32
      %dma_wait3A_144 = arith.constant 0 : i32
      %dma_wait3A_145 = tpu.memref_slice %arg2[%dma_wait3A_144] : memref<8388608xf32, #tpu.memory_space<hbm>> -> memref<4096xf32, #tpu.memory_space<hbm>>
      %dma_wait3A_146 = arith.constant 0 : i32
      %dma_wait3A_147 = tpu.memref_slice %arg2[%dma_wait3A_146] : memref<8388608xf32, #tpu.memory_space<hbm>> -> memref<4096xf32, #tpu.memory_space<hbm>>
      tpu.wait_dma2 semaphore(%arg11 : memref<!tpu.dma_semaphore, #tpu.memory_space<semaphore_mem>>) src(%dma_wait3A_147 : memref<4096xf32, #tpu.memory_space<hbm>>) dst(%arg7 : memref<4096xf32, #tpu.memory_space<vmem>>)
      %gt3A_148 = arith.constant 0 : i32
      %gt3A_149 = arith.cmpi sgt, %scan3A_118, %gt3A_148 : i32
      %convert_element_type3A_150 = arith.extui %gt3A_149 : i1 to i32
      %cond3A_151 = arith.constant 0 : i32
      %cond3A_152 = arith.cmpi ne, %convert_element_type3A_150, %cond3A_151 : i32
      scf.if %cond3A_152 {
        %dma_wait3A_165 = arith.constant 0 : i32
        %dma_wait3A_166 = tpu.memref_slice %arg4[%dma_wait3A_165] : memref<67108864xf32, #tpu.memory_space<hbm>> -> memref<32768xf32, #tpu.memory_space<hbm>>
        %dma_wait3A_167 = arith.constant 0 : i32
        %dma_wait3A_168 = tpu.memref_slice %arg4[%dma_wait3A_167] : memref<67108864xf32, #tpu.memory_space<hbm>> -> memref<32768xf32, #tpu.memory_space<hbm>>
        tpu.wait_dma2 semaphore(%arg13 : memref<!tpu.dma_semaphore, #tpu.memory_space<semaphore_mem>>) src(%arg9 : memref<32768xf32, #tpu.memory_space<vmem>>) dst(%dma_wait3A_168 : memref<32768xf32, #tpu.memory_space<hbm>>)
      } else {
      }
      %mul3A_153 = arith.constant 64 : i32
      %mul3A_154 = arith.muli %add3A_143, %mul3A_153 : i32
      %add3A_155 = arith.addi %mul3A_2, %mul3A_154 : i32
      %mul3A_156 = arith.constant 512 : i32
      %mul3A_157 = arith.muli %add3A_155, %mul3A_156 : i32
      %dma_start3A_158 = tpu.memref_slice %arg4[%mul3A_157] : memref<67108864xf32, #tpu.memory_space<hbm>> -> memref<32768xf32, #tpu.memory_space<hbm>>
      %dma_start3A_159 = tpu.memref_slice %arg4[%mul3A_157] : memref<67108864xf32, #tpu.memory_space<hbm>> -> memref<32768xf32, #tpu.memory_space<hbm>>
      tpu.enqueue_dma source(%arg9 : memref<32768xf32, #tpu.memory_space<vmem>>) target(%dma_start3A_159 : memref<32768xf32, #tpu.memory_space<hbm>>) target_semaphore(%arg13 : memref<!tpu.dma_semaphore, #tpu.memory_space<semaphore_mem>>)
      %lt3A_160 = arith.constant 31 : i32
      %lt3A_161 = arith.cmpi slt, %scan3A_118, %lt3A_160 : i32
      %convert_element_type3A_162 = arith.extui %lt3A_161 : i1 to i32
      %cond3A_163 = arith.constant 0 : i32
      %cond3A_164 = arith.cmpi ne, %convert_element_type3A_162, %cond3A_163 : i32
      scf.if %cond3A_164 {
        %add3A_165 = arith.constant 2 : i32
        %add3A_166 = arith.addi %add3A_143, %add3A_165 : i32
        %mul3A_167 = arith.constant 64 : i32
        %mul3A_168 = arith.muli %add3A_166, %mul3A_167 : i32
        %add3A_169 = arith.addi %mul3A_2, %mul3A_168 : i32
        %mul3A_170 = arith.constant 64 : i32
        %mul3A_171 = arith.muli %add3A_169, %mul3A_170 : i32
        %dma_start3A_172 = tpu.memref_slice %arg2[%mul3A_171] : memref<8388608xf32, #tpu.memory_space<hbm>> -> memref<4096xf32, #tpu.memory_space<hbm>>
        %dma_start3A_173 = tpu.memref_slice %arg2[%mul3A_171] : memref<8388608xf32, #tpu.memory_space<hbm>> -> memref<4096xf32, #tpu.memory_space<hbm>>
        tpu.enqueue_dma source(%dma_start3A_173 : memref<4096xf32, #tpu.memory_space<hbm>>) target(%arg7 : memref<4096xf32, #tpu.memory_space<vmem>>) target_semaphore(%arg11 : memref<!tpu.dma_semaphore, #tpu.memory_space<semaphore_mem>>)
      } else {
      }
    }
    %scan3A_110 = arith.constant 32 : i32
    %dma_wait3A = arith.constant 0 : i32
    %dma_wait3A_111 = tpu.memref_slice %arg4[%dma_wait3A] : memref<67108864xf32, #tpu.memory_space<hbm>> -> memref<32768xf32, #tpu.memory_space<hbm>>
    %dma_wait3A_112 = arith.constant 0 : i32
    %dma_wait3A_113 = tpu.memref_slice %arg4[%dma_wait3A_112] : memref<67108864xf32, #tpu.memory_space<hbm>> -> memref<32768xf32, #tpu.memory_space<hbm>>
    tpu.wait_dma2 semaphore(%arg12 : memref<!tpu.dma_semaphore, #tpu.memory_space<semaphore_mem>>) src(%arg8 : memref<32768xf32, #tpu.memory_space<vmem>>) dst(%dma_wait3A_113 : memref<32768xf32, #tpu.memory_space<hbm>>)
    %dma_wait3A_114 = arith.constant 0 : i32
    %dma_wait3A_115 = tpu.memref_slice %arg4[%dma_wait3A_114] : memref<67108864xf32, #tpu.memory_space<hbm>> -> memref<32768xf32, #tpu.memory_space<hbm>>
    %dma_wait3A_116 = arith.constant 0 : i32
    %dma_wait3A_117 = tpu.memref_slice %arg4[%dma_wait3A_116] : memref<67108864xf32, #tpu.memory_space<hbm>> -> memref<32768xf32, #tpu.memory_space<hbm>>
    tpu.wait_dma2 semaphore(%arg13 : memref<!tpu.dma_semaphore, #tpu.memory_space<semaphore_mem>>) src(%arg9 : memref<32768xf32, #tpu.memory_space<vmem>>) dst(%dma_wait3A_117 : memref<32768xf32, #tpu.memory_space<hbm>>)
    return
  }
}

</mosaic_0001>

<sc_bundles>
// kernel: kernel.3.cloned.1.call-start
scs
__scs_entry_jumppad:
0x0: {  	(pc) =	sbr.rel $0x88, $3  }
0x1: {  	(tag) =	ssettag $0x0;
	lr =	simm.s32 $0x1  }
0x2: {  	[smem:$0x3F9F] =	sst lr;
	_ =	strace $0xD0000000  }
0x3: {  	_ = 	snop  }
0x4: {  	_ = 	snop  }
0x5: {  	_ = 	snop  }
0x6: {  	_ = 	snop  }
0x7: {  	_ = 	snop  }
__scs_overlays_trampoline_lowered:
0x8: {  	[smem:$0x3FAE] =	sst s0  }
0x9: {  	[smem:$0x3FAF] =	sst s1  }
0xa: {  	[smem:$0x3FB0] =	sst s2  }
0xb: {  	[smem:$0x3FB1] =	sst s3  }
0xc: {  	[smem:$0x3FB2] =	sst s4  }
0xd: {  	[smem:$0x3FB3] =	sst s5  }
0xe: {  	[smem:$0x3FB4] =	sst s6  }
0xf: {  	[smem:$0x3FB5] =	sst s7  }
0x10: {  	[smem:$0x3FB6] =	sst s8  }
0x11: {  	[smem:$0x3FB7] =	sst s9;
	s0 =	simm.s32 @!p0 $0x0  }
0x12: {  	s1 =	sld [smem:$0x3F9D];
	s0 =	simm.s32 @p0 $0x1  }
0x13: {  	[smem:$0x3FB8] =	sst s0;
	s0 =	simm.s32 @!p1 $0x0  }
0x14: {  	s2 =	sld [smem:$0x3F9C];
	s0 =	simm.s32 @p1 $0x1  }
0x15: {  	[smem:$0x3FB9] =	sst s0;
	s0 =	simm.s32 @!p2 $0x0  }
0x16: {  	s3 =	sld [smem:$0x3FDB];
	s0 =	simm.s32 @p2 $0x1  }
0x17: {  	s4 =	simm.s32 $0x1BF5;
	[smem:$0x3FBB] =	sst s0  }
0x18: {  	s0 =	sld [smem:$0x3F9E];
	_ =	swait.ge [sflag:s4], $0x0  }
0x19: {  	s7 =	sld [smem:$0x3F9F]  }
0x1a: {  	s8 =	sadd.s32 $0xFFFFE003, lr  }
0x1b: {  	s9 =	sadd.s32 $0xFFFFFEF7, lr;
	s5 =	simm.s32 $0xFFFFFFFF;
	p2 =	slt.u32 s8, $0xFFFFF086  }
0x1c: {  	p1 =	slt.u32 s9, $0xF7A;
	s5 =	simm.s32 @!p2 $0x0  }
0x1d: {  	s5 =	simm.s32 @p1 $0x1;
	p0 =	seq.s32 s7, s2  }
0x1e: {  	s7 =	smul.u32 @!p0 $0xF7A, s2;
	p2 =	seq.s32 @!p0 s5, $0x0  }
0x1f: {  	s9 =	smul.u32 $0xF7A, s1;
	s8 =	simm.s32 @!p0 $0x1BF5;
	p2 =	por !p2, p0  }
0x20: {  	[sflag:s8] =	ssyncset.s32 @!p0 $0xFFFFF086;
	s6 =	sadd.s32 @!p0 s3, s7;
	s7 =	simm.s32 @!p0 $0x108  }
0x21: {  	s3 =	sadd.s32 s3, s9;
	s6 =	sadd.s32 @!p0 $0x88, s6;
	s7 =	simm.s32 @p2 $0x1082  }
0x22: {  	[simem:s7], [sflag:s8] =	dma.local @!p0 [hbm:s6], $0xF7A  }
0x23: {  	s9 =	sor.u32 $0xD0000000, s2;
	s6 =	simm.s32 $0x108;
	_ =	swait.ge @!p0 [sflag:s8], $0x0  }
0x24: {  	s3 =	sadd.s32 $0x88, s3;
	s6 =	simm.s32 @!p1 $0x1082;
	[sflag:s4] =	ssyncset.s32 $0xFFFFF086  }
0x25: {  	[simem:s6], [sflag:s4] =	dma.local [hbm:s3], $0xF7A  }
0x26: {  	[smem:$0x3F9F] =	sst s1;
	(tag) =	ssettag s2;
	_ =	strace s9  }
0x27: {  	s1 =	sld [smem:$0x3FAF]  }
0x28: {  	s2 =	sld [smem:$0x3FB0]  }
0x29: {  	s4 =	sld [smem:$0x3FB2]  }
0x2a: {  	p0 =	seq.s32 s5, $0x0;
	s5 =	sld [smem:$0x3FB3]  }
0x2b: {  	s6 =	sld [smem:$0x3FB4]  }
0x2c: {  	s7 =	sld [smem:$0x3FB5]  }
0x2d: {  	s3 =	simm.s32 $0x108;
	s8 =	sld [smem:$0x3FB6]  }
0x2e: {  	s3 =	simm.s32 @!p0 $0x1082;
	s9 =	sld [smem:$0x3FB7]  }
0x2f: {  	lr =	sadd.s32 s0, s3;
	s0 =	sld [smem:$0x3FAE]  }
0x30: {  	s3 =	sld [smem:$0x3FB1]  }
0x31: {  	[smem:$0x3FBA] =	sst s10  }
0x32: {  	s10 =	sld [smem:$0x3FB8];
	_ =	sdelay $0x3  }
0x33: {  	p0 =	seq.s32 s10, $0x1;
	s10 =	sld [smem:$0x3FBA];
	_ =	sdelay $0x3  }
0x34: {  	[smem:$0x3FBA] =	sst s10  }
0x35: {  	s10 =	sld [smem:$0x3FB9];
	_ =	sdelay $0x3  }
0x36: {  	p1 =	seq.s32 s10, $0x1;
	s10 =	sld [smem:$0x3FBA];
	_ =	sdelay $0x3  }
0x37: {  	[smem:$0x3FBA] =	sst s10  }
0x38: {  	s10 =	sld [smem:$0x3FBB]  }
0x39: {  	_ = 	snop;
	(pc) =	sbr.ind lr, $3  }
0x3a: {  	_ = 	snop  }
0x3b: {  	_ = 	snop  }
0x3c: {  	p2 =	seq.s32 s10, $0x1;
	s10 =	sld [smem:$0x3FBA]  }
0x3d: {  	_ =	shalt  }
0x3e: {  	_ =	shalt  }
0x3f: {  	_ =	shalt  }
0x40: {  	_ =	shalt  }
0x41: {  	_ =	shalt  }
0x42: {  	_ =	shalt  }
0x43: {  	_ =	shalt  }
0x44: {  	_ =	shalt  }
0x45: {  	_ =	shalt  }
0x46: {  	_ =	shalt  }
0x47: {  	_ =	shalt  }
0x48: {  	_ =	shalt  }
0x49: {  	_ =	shalt  }
0x4a: {  	_ =	shalt  }
0x4b: {  	_ =	shalt  }
0x4c: {  	_ =	shalt  }
0x4d: {  	_ =	shalt  }
0x4e: {  	_ =	shalt  }
0x4f: {  	_ =	shalt  }
0x50: {  	_ =	shalt  }
0x51: {  	_ =	shalt  }
0x52: {  	_ =	shalt  }
0x53: {  	_ =	shalt  }
0x54: {  	_ =	shalt  }
0x55: {  	_ =	shalt  }
0x56: {  	_ =	shalt  }
0x57: {  	_ =	shalt  }
0x58: {  	_ =	shalt  }
0x59: {  	_ =	shalt  }
0x5a: {  	_ =	shalt  }
0x5b: {  	_ =	shalt  }
0x5c: {  	_ =	shalt  }
0x5d: {  	_ =	shalt  }
0x5e: {  	_ =	shalt  }
0x5f: {  	_ =	shalt  }
0x60: {  	_ =	shalt  }
0x61: {  	_ =	shalt  }
0x62: {  	_ =	shalt  }
0x63: {  	_ =	shalt  }
0x64: {  	_ =	shalt  }
0x65: {  	_ =	shalt  }
0x66: {  	_ =	shalt  }
0x67: {  	_ =	shalt  }
0x68: {  	_ =	shalt  }
0x69: {  	_ =	shalt  }
0x6a: {  	_ =	shalt  }
0x6b: {  	_ =	shalt  }
0x6c: {  	_ =	shalt  }
0x6d: {  	_ =	shalt  }
0x6e: {  	_ =	shalt  }
0x6f: {  	_ =	shalt  }
0x70: {  	_ =	shalt  }
0x71: {  	_ =	shalt  }
0x72: {  	_ =	shalt  }
0x73: {  	_ =	shalt  }
0x74: {  	_ =	shalt  }
0x75: {  	_ =	shalt  }
0x76: {  	_ =	shalt  }
0x77: {  	_ =	shalt  }
0x78: {  	_ =	shalt  }
0x79: {  	_ =	shalt  }
0x7a: {  	_ =	shalt  }
0x7b: {  	_ =	shalt  }
0x7c: {  	_ =	shalt  }
0x7d: {  	_ =	shalt  }
0x7e: {  	_ =	shalt  }
0x7f: {  	_ =	shalt  }
0x80: {  	_ =	shalt  }
0x81: {  	_ =	shalt  }
0x82: {  	_ =	shalt  }
0x83: {  	_ =	shalt  }
0x84: {  	_ =	shalt  }
0x85: {  	_ =	shalt  }
0x86: {  	_ =	shalt  }
0x87: {  	_ =	shalt  }
.Lfunc_end0:
.L_simem_size_0:
called_computation_lowered:
.L_overlay_start_0:
0x88: {  	s2 =	sld [smem:$0x3FD9]  }
0x89: {  	s3 =	sld [smem:$0x3FFE];
	_ =	sdelay $0x1  }
0x8a: {  	s1 =	srdreg.scid  }
0x8b: {  	s0 =	sand.u32 $0x1, s1  }
0x8c: {  	s16 =	sshll.u32 s0, $0xA;
	s2 =	sadd.s32 s3, s2  }
0x8d: {  	s2 =	sadd.s32 s2, s16  }
0x8e: {  	[smem:$0x3FC6] =	sst s2  }
0x8f: {  	_ = 	snop  }
0x90: {  	(tm) =	ssettm $0x1  }
0x91: {  	s17 =	sld [smem:$0x3FFB];
	_ =	sdelay $0x3  }
0x92: {  	_ =	strace s17  }
0x93: {  	s2 =	sld [smem:$0x3FFC];
	_ =	sdelay $0x3  }
0x94: {  	_ =	strace s2  }
0x95: {  	s2 =	sld [smem:$0x3FFD];
	_ =	sdelay $0x3  }
0x96: {  	_ =	strace s2  }
0x97: {  	_ =	strace $0x8FFFFFFF  }
0x98: {  	s18 =	sld [smem:$0x3FDB];
	_ =	sdelay $0x1  }
0x99: {  	s19 =	simm.s32 $_scs_section_size  }
0x9a: {  	s4 =	simm.s32 $_size__tile_overlayer_lowered;
	s5 =	simm.s32 $_tile_overlayer_lowered  }
0x9b: {  	s22 =	simm.s32 $0x1BFF;
	s21 =	sshll.u32 s5, $0x1;
	s2 =	sadd.s32 s19, s18  }
0x9c: {  	s6 =	simm.s32 $0x0;
	s20 =	sshll.u32 s4, $0x1;
	s4 =	sadd.s32 s21, s2  }
0x9d: {  	[timem:s6], [sflag:s22] =	dma.local [hbm:s4], s20  }
0x9e: {  	_ =	swait.ge [sflag:s22], s20  }
0x9f: {  	s3 =	ssub.s32 $0x0, s20;
	[sflag:s22] =	ssyncset.done $0x0  }
0xa0: {  	[sflag:s22] =	ssyncadd.s32 s3;
	_ =	sdelay $0x1  }
0xa1: {  	s23 =	simm.s32 $0x1B8B  }
0xa2: {  	_ =	swait.ge [sflag:s23], $0x1  }
0xa3: {  	[sflag:s23] =	ssyncset.done $0x0  }
0xa4: {  	s25 =	simm.s32 $0x1B8E;
	s24 =	sld [smem:$0x3FFE];
	[sflag:s23] =	ssyncadd.s32 $0xFFFFFFFF  }
0xa5: {  	s26 =	simm.s32 $execute0_lowered;
	[smem:$0x3FD2] =	sst s25  }
0xa6: {  	s4 =	sshll.u32 s26, $0x1;
	_ =	strace $0x80000046;
	[dreg:$0x1] =	wrdreg $0xFFFFFFFF  }
0xa7: {  	s28 =	simm.s32 $_size_execute0_lowered;
	s2 =	sadd.s32 s2, s4;
	[dreg:$0x0] =	wrdreg $0x0  }
0xa8: {  	s4 =	sshll.u32 s28, $0x1;
	[dreg:$0x2] =	wrdreg s2  }
0xa9: {  	[dreg:$0x3] =	wrdreg s4  }
0xaa: {  	[dreg:$0x4] =	wrdreg $0xC0  }
0xab: {  	_ =	task [dreg:s6], $0x5FFFF  }
0xac: {  	[dreg:$0x1] =	wrdreg $0xFFFFFFFF  }
0xad: {  	[dreg:$0x0] =	wrdreg $0x60  }
0xae: {  	[dreg:$0x2] =	wrdreg s24  }
0xaf: {  	[dreg:$0x3] =	wrdreg $0x9  }
0xb0: {  	_ =	task.clear_ibuf [dreg:s6], $0x4FFFF;
	_ =	strace $0x90000046  }
0xb1: {  	s29 =	simm.s32 $0x9;
	_ =	strace $0x80000048  }
0xb2: {  	_ =	swait.ge [sflag:s29], $0x1  }
0xb3: {  	[sflag:s29] =	ssyncadd.s32 $0xFFFFFFFF  }
0xb4: {  	_ =	strace $0x90000048  }
0xb5: {  	_ =	sfence  }
0xb6: {  	s30 =	sld [smem:$0x0];
	_ =	sdelay $0x2  }
0xb7: {  	s31 =	sshll.u32 s1, $0xD;
	s1 =	sshrl.u32 s1, $0x2  }
0xb8: {  	s3 =	sand.u32 $0x4000, s31;
	s1 =	sadd.s32 s1, s30  }
0xb9: {  	s0 =	sor.u32 s3, s0;
	s1 =	sshll.u32 s1, $0x11  }
0xba: {  	s0 =	sor.u32 s1, s0  }
0xbb: {  	s0 =	sadd.s32 $0x8F2B, s0  }
0xbc: {  	[sflag:s0] =	ssyncadd.remote.s32 $0x1  }
0xbd: {  	_ =	sfence.sel $0xFFFF  }
0xbe: {  	[dreg:$0x0] =	wrdreg $0xFFFFFFFF;
	(pc) =	sbr.abs _section_cstart, $3  }
0xbf: {  	[dreg:$0x1] =	wrdreg $0xFFFFFFFF  }
0xc0: {  	_ =	task.clear_ibuf [dreg:s6], $0x2FFFF;
	_ =	strace $0x9FFFFFFF  }
0xc1: {  	(tm) =	ssettm $0x7FFFFFFF  }
tec
execute0_lowered:
.L_overlay_start_1:
0x0: {  	(tag) =	ssettag $0x1  }
0x1: {  	s4 =	rddreg [dreg:$0x0]  }
0x2: {  	s0 =	rddreg [dreg:$0x1];
	s2 =	simm.s32 $0x0  }
0x3: {  	s3 =	srdreg.scid;
	s1 =	stileid.u32;
	s17 =	simm.s32 $0x1200  }
0x4: {  	s18 =	simm.s32 $0x1;
	s19 =	simm.s32 $0x2200;
	s20 =	simm.s32 $0x2  }
0x5: {  	s21 =	simm.s32 $0xA200;
	s22 =	simm.s32 $0x3;
	s23 =	simm.s32 $0x4  }
0x6: {  	s24 =	simm.s32 $0x0;
	[smem:$0x7FF] =	sst s2;
	s11 =	sand.u32 $0x1, s3  }
0x7: {  	s26 =	sshll.u32 s1, $0x1;
	s12 =	sadd.s32 $0x600, s4;
	s3 =	sadd.s32 $0x400, s4  }
0x8: {  	s13 =	sadd.s32 $0x100600, s4;
	s14 =	sshll.u32 s1, $0xD;
	s16 =	sshll.u32 s1, $0x13  }
0x9: {  	_ =	strace $0x80000047;
	s6 =	sor.u32 s11, s26;
	s5 =	ssub.s32 $0x2, s11  }
0xa: {  	s15 =	sshll.u32 s11, $0xC;
	s29 =	sadd.s32 s16, s13;
	s11 =	sshll.u32 s11, $0x12  }
0xb: {  	s16 =	simm.s32 $0x200;
	s7 =	sshll.u32 s6, $0xF;
	s8 =	sshrl.u32 s5, $0x1  }
0xc: {  	s6 =	sshll.u32 s6, $0x12;
	s14 =	sor.u32 s15, s14;
	s11 =	sadd.s32 s11, s29  }
0xd: {  	s15 =	simm.s32 $0x5;
	s4 =	sadd.s32 s12, s7;
	s28 =	ssub.s32 s5, s8  }
.Ltmp0:
0xe: {  	s6 =	sadd.s32 s13, s6;
	s30 =	sshll.u32 s14, $0x3;
	(pc) =	sbr.rel .LBB2_1-.Ltmp0, $4  }
0xf: {  	s14 =	sshll.u32 s14, $0x6;
	s11 =	sadd.s32 $0x2000, s11;
	s5 =	sadd.s32 $0x200, s4  }
0x10: {  	s7 =	smax.u32 s28, $0x1;
	s8 =	sadd.s32 $0x400, s4;
	s9 =	sadd.s32 $0x1000, s6  }
0x11: {  	s10 =	sadd.s32 $0x600, s4;
	s31 =	sadd.s32 s30, s12;
	s14 =	sadd.s32 s14, s13  }
0x12: {  	s12 =	sadd.s32 $0xA00, s31;
	s13 =	sadd.s32 $0x800, s31;
	s14 =	sadd.s32 $0x3000, s14  }
.LBB2_4:
0x13: {  	s24 =	sadd.s32 $0x1, s24  }
0x14: {  	_ =	swait.ge [sflag:s22], $0x8000;
	p0 =	sne.s32 s24, s7  }
.Ltmp1:
0x15: {  	[sflag:s22] =	ssyncset.done $0x0;
	(pc) =	sbr.rel @!p0 .LBB2_5-.Ltmp1, $4  }
0x16: {  	[sflag:s22] =	ssyncadd.s32 $0xFFFF8000  }
0x17: {  	_ =	swait.ge [sflag:s23], $0x8000  }
0x18: {  	[sflag:s23] =	ssyncset.done $0x0  }
0x19: {  	[sflag:s23] =	ssyncadd.s32 $0xFFFF8000  }
.LBB2_1:
0x1a: {  	[tilespmem:s2], [sflag:$0x5] =	stream.linear.gather [hbm4b:s3+s2], $0x200, $0x38;
	[tilespmem:$0x12200] =	vst v63  }
0x1b: {  	_ =	swait.ge [sflag:s15], $0x200  }
0x1c: {  	[sflag:s15] =	ssyncset.done $0x0  }
0x1d: {  	[sflag:s15] =	ssyncadd.s32 $0xFFFFFE00  }
0x1e: {  	[tilespmem:s16], [sflag:$0x1] =	stream.linear.gather [hbm4b:s4+s2], $0x1000, $0x38;
	[tilespmem:$0x12200] =	vst v63  }
0x1f: {  	_ = 	snop  }
0x20: {  	[tilespmem:s17], [sflag:$0x2] =	stream.linear.gather [hbm4b:s5+s2], $0x1000, $0x38;
	[tilespmem:$0x12200] =	vst v63  }
0x21: {  	_ =	swait.ge [sflag:s18], $0x1000  }
0x22: {  	[sflag:s18] =	ssyncset.done $0x0  }
0x23: {  	[sflag:s18] =	ssyncadd.s32 $0xFFFFF000  }
0x24: {  	[hbm4b:s6+s2] =	stream.linear.scatter [tilespmem:s19], [sflag:$0x3], $0x8000, $0x38;
	[tilespmem:$0x12200] =	vst v63  }
0x25: {  	_ = 	snop  }
0x26: {  	[tilespmem:s16], [sflag:$0x1] =	stream.linear.gather [hbm4b:s8+s2], $0x1000, $0x38;
	[tilespmem:$0x12200] =	vst v63  }
0x27: {  	_ =	swait.ge [sflag:s20], $0x1000  }
0x28: {  	[sflag:s20] =	ssyncset.done $0x0  }
0x29: {  	[sflag:s20] =	ssyncadd.s32 $0xFFFFF000  }
0x2a: {  	[hbm4b:s9+s2] =	stream.linear.scatter [tilespmem:s21], [sflag:$0x4], $0x8000, $0x38;
	[tilespmem:$0x12200] =	vst v63  }
0x2b: {  	s25 =	smov.u32 s14;
	s26 =	smov.u32 s11;
	s28 =	simm.s32 $0x0  }
0x2c: {  	[tilespmem:s17], [sflag:$0x2] =	stream.linear.gather [hbm4b:s10+s2], $0x1000, $0x38;
	[tilespmem:$0x12200] =	vst v63  }
.LBB2_2:
0x2d: {  	_ =	swait.ge [sflag:s18], $0x1000  }
0x2e: {  	[sflag:s18] =	ssyncset.done $0x0  }
0x2f: {  	[sflag:s18] =	ssyncadd.s32 $0xFFFFF000  }
0x30: {  	_ =	swait.ge [sflag:s22], $0x8000  }
0x31: {  	[sflag:s22] =	ssyncset.done $0x0  }
0x32: {  	p0 =	seq.s32 s28, $0x7800;
	[sflag:s22] =	ssyncadd.s32 $0xFFFF8000  }
0x33: {  	[hbm4b:s26+s2] =	stream.linear.scatter [tilespmem:s19], [sflag:$0x3], $0x8000, $0x38;
	[tilespmem:$0x12200] =	vst v63  }
0x34: {  	s29 =	sadd.s32 @!p0 s28, s13;
	s30 =	simm.s32 @!p0 $0x0;
	s31 =	simm.s32 @!p0 $0x200  }
0x35: {  	[tilespmem:s31], [sflag:$0x1] =	stream.linear.gather @!p0 [hbm4b:s29+s30], $0x1000, $0x38;
	[tilespmem:$0x12200] =	vst v63  }
0x36: {  	_ =	swait.ge [sflag:s20], $0x1000  }
0x37: {  	[sflag:s20] =	ssyncset.done $0x0  }
.Ltmp2:
0x38: {  	[sflag:s20] =	ssyncadd.s32 $0xFFFFF000;
	(pc) =	sbr.rel @p0 .LBB2_4-.Ltmp2, $4  }
0x39: {  	_ =	swait.ge [sflag:s23], $0x8000  }
0x3a: {  	[sflag:s23] =	ssyncset.done $0x0  }
0x3b: {  	[sflag:s23] =	ssyncadd.s32 $0xFFFF8000  }
0x3c: {  	[hbm4b:s25+s2] =	stream.linear.scatter [tilespmem:s21], [sflag:$0x4], $0x8000, $0x38;
	[tilespmem:$0x12200] =	vst v63  }
.Ltmp3:
0x3d: {  	(pc) =	sbr.rel .LBB2_2-.Ltmp3, $4  }
0x3e: {  	_ = 	snop  }
0x3f: {  	s29 =	sadd.s32 s28, s12  }
0x40: {  	s28 =	sadd.s32 $0x400, s28;
	s26 =	sadd.s32 $0x2000, s26;
	s25 =	sadd.s32 $0x2000, s25  }
0x41: {  	[tilespmem:s17], [sflag:$0x2] =	stream.linear.gather [hbm4b:s29+s2], $0x1000, $0x38;
	[tilespmem:$0x12200] =	vst v63  }
.LBB2_5:
0x42: {  	_ =	sfence.sel $0x180000  }
0x43: {  	[bflag:$0x0] =	sbarrier.arrive $0xFFFF  }
0x44: {  	p0 =	sne.s32 s1, $0x0;
	_ =	strace $0x90000047  }
0x45: {  	s0 =	sadd.s32 @!p0 $0x100000, s0;
	[bflag:$0x2] =	sbarrier.arrive $0xFFFF  }
0x46: {  	[sflag:s0] =	ssyncadd.tile.s32 @!p0 $0x1;
	_ =	shalt  }
.Lfunc_end2:
_tile_overlayer_lowered:
.L_overlay_start_2:
0x47: {  	(tag) =	ssettag $0x2  }
0x48: {  	s0 =	rddreg [dreg:$0x0];
	s2 =	stileid.u32  }
0x49: {  	s1 =	rddreg [dreg:$0x1];
	p0 =	sne.s32 s2, $0x0  }
0x4a: {  	s3 =	rddreg [dreg:$0x2];
	[bflag:$0x3] =	sbarrier.arrive $0xFFFF;
	s2 =	simm.s32 @!p0 $0x1C05  }
0x4b: {  	[timem:s3], [sflag:s2] =	dma.local @!p0 [hbm:s0], s1  }
0x4c: {  	s0 =	simm.s32 @!p0 $0x5  }
0x4d: {  	_ =	swait.ge @!p0 [sflag:s0], s1  }
0x4e: {  	s1 =	ssub.s32 @!p0 $0x0, s1;
	[sflag:s0] =	ssyncset.done @!p0 $0x0  }
0x4f: {  	[sflag:s0] =	ssyncadd.s32 @!p0 s1  }
0x50: {  	[bflag:$0x3] =	sbarrier.arrive $0xFFFF  }
0x51: {  	_ =	shalt  }

</sc_bundles>
